<compile_context>
chip_gen: v7x
topology: tpu7x:2x2x1
jax: 0.10.2.dev20260603
libtpu: 0.0.44.dev20260713+nightly
codegen_flags: <defaults>
</compile_context>

<pallas_src>
import functools

import jax
import jax.numpy as jnp
from jax import lax
from jax.experimental import pallas as pl
from jax.experimental.pallas import tpu as pltpu
from jax.experimental.pallas import tpu_sc as plsc

K_NEIGH = 5
SLOPE = 1.0

_BT = 1024
_FB = 4096
_PAD_K = 8

_F32_INF = float("inf")
_FIDX_BIG = float(2**24)


def _select_smallest(vals, idxs, n_out):
    out_v, out_i = [], []
    for t in range(n_out):
        m = jnp.min(vals, axis=1, keepdims=True)
        ai = jnp.min(jnp.where(vals == m, idxs, _FIDX_BIG), axis=1,
                     keepdims=True)
        out_v.append(m)
        out_i.append(ai)
        if t + 1 < n_out:
            vals = jnp.where(idxs == ai, _F32_INF, vals)
    return out_v, out_i


def _topk_body(n_fb, f_real, q_ref, qm2_ref, frel_ref, farg1_ref,
               scores_ref, idx_ref, rv_ref, ri_ref):
    j = pl.program_id(1)

    @pl.when(j == 0)
    def _init():
        rv_ref[...] = jnp.full((_BT, _PAD_K), _F32_INF, jnp.float32)
        ri_ref[...] = jnp.full((_BT, _PAD_K), _FIDX_BIG, jnp.float32)

    q = q_ref[...]
    qm2 = qm2_ref[...]
    k = jnp.concatenate([frel_ref[...], farg1_ref[...]], axis=1)
    q2 = jnp.sum(q * q, axis=1, keepdims=True)
    k2 = jnp.sum(k * k, axis=1)
    qkm2 = lax.dot_general(qm2, k, (((1,), (1,)), ((), ())),
                           preferred_element_type=jnp.float32)
    d2 = (q2 + qkm2) + k2[None, :]

    col = lax.broadcasted_iota(jnp.int32, (_BT, _FB), 1).astype(jnp.float32)
    d2 = jnp.where(col < jnp.float32(f_real) - jnp.float32(j * _FB),
                   d2, _F32_INF)

    bv, bi = _select_smallest(d2, col, K_NEIGH)
    off = jnp.float32(j * _FB)
    bi = [x + off for x in bi]

    cand_v = jnp.concatenate([rv_ref[...]] + bv, axis=1)
    cand_i = jnp.concatenate([ri_ref[...]] + bi, axis=1)
    new_v, new_i = _select_smallest(cand_v, cand_i, K_NEIGH)

    pad_v = jnp.full((_BT, _PAD_K - K_NEIGH), _F32_INF, jnp.float32)
    pad_i = jnp.full((_BT, _PAD_K - K_NEIGH), _FIDX_BIG, jnp.float32)
    merged_v = jnp.concatenate(new_v + [pad_v], axis=1)
    merged_i = jnp.concatenate(new_i + [pad_i], axis=1)
    rv_ref[...] = merged_v
    ri_ref[...] = merged_i

    @pl.when(j == n_fb - 1)
    def _emit():
        scores_ref[...] = jnp.exp(merged_v * jnp.float32(-0.5 / SLOPE**2))
        idx_ref[...] = merged_i.astype(jnp.int32)


def _topk_scores(q, frel, farg1):
    b, dq = q.shape
    f, d = frel.shape
    n_fb = (f + _FB - 1) // _FB
    grid = (b // _BT, n_fb)
    return pl.pallas_call(
        functools.partial(_topk_body, n_fb, f),
        grid=grid,
        in_specs=[
            pl.BlockSpec((_BT, dq), lambda i, j: (i, 0)),
            pl.BlockSpec((_BT, dq), lambda i, j: (i, 0)),
            pl.BlockSpec((_FB, d), lambda i, j: (j, 0)),
            pl.BlockSpec((_FB, d), lambda i, j: (j, 0)),
        ],
        out_specs=[
            pl.BlockSpec((_BT, _PAD_K), lambda i, j: (i, 0)),
            pl.BlockSpec((_BT, _PAD_K), lambda i, j: (i, 0)),
        ],
        out_shape=[
            jax.ShapeDtypeStruct((b, _PAD_K), jnp.float32),
            jax.ShapeDtypeStruct((b, _PAD_K), jnp.int32),
        ],
        scratch_shapes=[
            pltpu.VMEM((_BT, _PAD_K), jnp.float32),
            pltpu.VMEM((_BT, _PAD_K), jnp.float32),
        ],
        compiler_params=pltpu.CompilerParams(
            dimension_semantics=("arbitrary", "arbitrary"),
            vmem_limit_bytes=120 * 1024 * 1024),
    )(q, -2.0 * q, frel, farg1)


def _sc_gather(flat_idx, table):
    n, = flat_idx.shape
    d = table.shape[1]
    info = plsc.get_sparse_core_info()
    nw = info.num_cores * info.num_subcores
    rows = n // nw
    mesh = plsc.VectorSubcoreMesh(core_axis_name="c", subcore_axis_name="s")

    @functools.partial(
        pl.kernel,
        out_type=jax.ShapeDtypeStruct((n, d), jnp.float32),
        mesh=mesh,
        compiler_params=pltpu.CompilerParams(use_tc_tiling_on_sc=False),
        scratch_types=[
            pltpu.VMEM((rows,), jnp.int32),
            pltpu.VMEM((rows, d), jnp.float32),
            pltpu.SemaphoreType.DMA,
        ],
    )
    def gather_kernel(idx_hbm, table_hbm, out_hbm, idx_v, rows_v, sem):
        wid = lax.axis_index("s") * info.num_cores + lax.axis_index("c")
        base = wid * rows
        pltpu.sync_copy(idx_hbm.at[pl.ds(base, rows)], idx_v)
        pltpu.async_copy(table_hbm.at[idx_v], rows_v, sem).wait()
        pltpu.sync_copy(rows_v, out_hbm.at[pl.ds(base, rows)])

    return gather_kernel(flat_idx, table)


def kernel(rel, arg1, fact_rel, fact_arg1, fact_arg2):
    b, d = rel.shape

    q = jnp.concatenate([rel, arg1], axis=1)
    scores8, idx8 = _topk_scores(q, fact_rel, fact_arg1)
    scores = scores8[:, :K_NEIGH]
    flat_idx = idx8[:, :K_NEIGH].reshape(-1)

    subs = _sc_gather(flat_idx, fact_arg2).reshape(b, K_NEIGH, d)
    return scores, subs

# --- scband reference (transcript-rebuilt; emitter-appended) ---
"""Pipeline reference for scband-neural-kb-37701222924639 (READ-ONLY COPY).

The authoritative reference and input builder live on the scoring server;
editing this copy changes nothing except your own understanding.
"""

import jax, jax.numpy as jnp
import numpy as np

K_NEIGH = 5
SLOPE = 1.0


def gaussian_kernel(a, b):
    # GNTP-style Gaussian/RBF kernel: exp(-||a-b||^2 / (2*slope^2))
    d2 = jnp.sum((a - b) ** 2, axis=-1)
    return jnp.exp(-d2 / (2.0 * SLOPE ** 2))


def knn_l2(queries, keys, k):
    # exact brute-force L2 nearest neighbors (what Index.build/query does)
    q2 = jnp.sum(queries ** 2, axis=1, keepdims=True)
    k2 = jnp.sum(keys ** 2, axis=1)
    d2 = q2 - 2.0 * (queries @ keys.T) + k2[None, :]
    _, idx = jax.lax.top_k(-d2, k)
    return idx


def setup_inputs(seed: int = 0) -> dict:
    key = jax.random.key(seed)
    ks = jax.random.split(key, 5)
    B, F, D = 1024, 100000, 64
    return {
        "rel": jax.random.normal(ks[0], (B, D), dtype=jnp.float32),
        "arg1": jax.random.normal(ks[1], (B, D), dtype=jnp.float32),
        "fact_rel": jax.random.normal(ks[2], (F, D), dtype=jnp.float32),
        "fact_arg1": jax.random.normal(ks[3], (F, D), dtype=jnp.float32),
        "fact_arg2": jax.random.normal(ks[4], (F, D), dtype=jnp.float32),
    }


def reference(rel, arg1, fact_rel, fact_arg1, fact_arg2):
    # NeuralKB.forward with arg1 given, arg2=None -> res_sp branch
    B, D = rel.shape
    F = fact_rel.shape[0]
    k = min(K_NEIGH, F)
    # neighbors(): build sp index over concat(fact_rel, fact_arg1), query concat(rel, arg1)
    fact_emb_sp = jnp.concatenate([fact_rel, fact_arg1], axis=1)
    batch_q = jnp.concatenate([rel, arg1], axis=1)
    neigh_sp = knn_l2(batch_q, fact_emb_sp, k)  # [B, k] int32
    # f_emb = concat of all fact embeddings, used as a frozen embedding table
    f_emb = jnp.concatenate([fact_rel, fact_arg1, fact_arg2], axis=1)
    flat_idx = neigh_sp.reshape(-1)
    batch_rel = jnp.repeat(rel[:, None, :], k, axis=1).reshape(-1, D)
    batch_arg1 = jnp.repeat(arg1[:, None, :], k, axis=1).reshape(-1, D)
    batch_arg2 = jnp.take(fact_arg2, flat_idx, axis=0)  # embedding lookup
    batch_emb = jnp.concatenate([batch_rel, batch_arg1, batch_arg2], axis=1)
    fact_e = jnp.take(f_emb, flat_idx, axis=0)  # embedding lookup
    scores_sp = gaussian_kernel(batch_emb, fact_e).reshape(B, k)
    subs_sp = batch_arg2.reshape(B, k, D)
    return scores_sp, subs_sp

if __name__ == "__main__":
    import jax
    _d = setup_inputs()
    print(jax.jit(kernel)(*tuple(_d.values())))

</pallas_src>

<mosaic_0001>
#map = affine_map<(d0, d1) -> (0)>
#map1 = affine_map<(d0, d1) -> (0, 0)>
module attributes {stable_mosaic.version = 14 : i64} {
  func.func @gather_kernel(%arg0: i32, %arg1: i32, %arg2: memref<5120xi32, #tpu.memory_space<hbm>>, %arg3: memref<100000x64xf32, #tpu.memory_space<hbm>>, %arg4: memref<5120x64xf32, #tpu.memory_space<hbm>>, %arg5: memref<160xi32, #tpu.memory_space<vmem>>, %arg6: memref<160x64xf32, #tpu.memory_space<vmem>>, %arg7: memref<!tpu.dma_semaphore, #tpu.memory_space<semaphore_mem>>) attributes {dimension_semantics = [#tpu.dimension_semantics<core_parallel>, #tpu.dimension_semantics<subcore_parallel>], iteration_bounds = array<i64: 2, 16>, scalar_prefetch = 0 : i64, scratch_operands = 3 : i64, tpu.core_type = #tpu.core_type<sc_vector_subcore>, window_params = [{transform_indices = #map}, {transform_indices = #map1}, {transform_indices = #map1}]} {
    %mul3A = arith.constant 2 : i32
    %mul3A_0 = arith.muli %arg1, %mul3A : i32
    %add3A = arith.addi %mul3A_0, %arg0 : i32
    %mul3A_1 = arith.constant 160 : i32
    %mul3A_2 = arith.muli %add3A, %mul3A_1 : i32
    "tpu.region"() ({
      %run_scoped3A = tpu.sem_alloc : memref<!tpu.dma_semaphore, #tpu.memory_space<semaphore_mem>>
      %dma_start3A_7 = tpu.memref_slice %arg2[%mul3A_2] : memref<5120xi32, #tpu.memory_space<hbm>> -> memref<160xi32, #tpu.memory_space<hbm>>
      %dma_start3A_8 = tpu.memref_slice %arg2[%mul3A_2] : memref<5120xi32, #tpu.memory_space<hbm>> -> memref<160xi32, #tpu.memory_space<hbm>>
      tpu.enqueue_dma source(%dma_start3A_8 : memref<160xi32, #tpu.memory_space<hbm>>) target(%arg5 : memref<160xi32, #tpu.memory_space<vmem>>) target_semaphore(%run_scoped3A : memref<!tpu.dma_semaphore, #tpu.memory_space<semaphore_mem>>)
      %dma_wait3A_9 = tpu.memref_slice %arg2[%mul3A_2] : memref<5120xi32, #tpu.memory_space<hbm>> -> memref<160xi32, #tpu.memory_space<hbm>>
      %dma_wait3A_10 = tpu.memref_slice %arg2[%mul3A_2] : memref<5120xi32, #tpu.memory_space<hbm>> -> memref<160xi32, #tpu.memory_space<hbm>>
      tpu.wait_dma2 semaphore(%run_scoped3A : memref<!tpu.dma_semaphore, #tpu.memory_space<semaphore_mem>>) src(%dma_wait3A_10 : memref<160xi32, #tpu.memory_space<hbm>>) dst(%arg5 : memref<160xi32, #tpu.memory_space<vmem>>)
      tpu.yield
    }) : () -> ()
    %dma_start3A = arith.constant 0 : i32
    %dma_start3A_3 = arith.constant 0 : i32
    %dma_start3A_4 = tpu.memref_slice %arg3[%dma_start3A, %dma_start3A_3] : memref<100000x64xf32, #tpu.memory_space<hbm>> -> memref<100000x64xf32, #tpu.memory_space<hbm>>
    tpu.enqueue_indirect_dma source(%dma_start3A_4 : memref<100000x64xf32, #tpu.memory_space<hbm>>) target(%arg6 : memref<160x64xf32, #tpu.memory_space<vmem>>) offsets(%arg5 : memref<160xi32, #tpu.memory_space<vmem>>) semaphore(%arg7 : memref<!tpu.dma_semaphore, #tpu.memory_space<semaphore_mem>>)
    %dma_wait3A = arith.constant 0 : i32
    %dma_wait3A_5 = arith.constant 0 : i32
    %dma_wait3A_6 = tpu.memref_slice %arg3[%dma_wait3A, %dma_wait3A_5] : memref<100000x64xf32, #tpu.memory_space<hbm>> -> memref<100000x64xf32, #tpu.memory_space<hbm>>
    tpu.wait_indirect_dma semaphore(%arg7 : memref<!tpu.dma_semaphore, #tpu.memory_space<semaphore_mem>>) src(%dma_wait3A_6 : memref<100000x64xf32, #tpu.memory_space<hbm>>) dst(%arg6 : memref<160x64xf32, #tpu.memory_space<vmem>>)
    "tpu.region"() ({
      %run_scoped3A = tpu.sem_alloc : memref<!tpu.dma_semaphore, #tpu.memory_space<semaphore_mem>>
      %dma_start3A_7 = arith.constant 0 : i32
      %dma_start3A_8 = tpu.memref_slice %arg4[%mul3A_2, %dma_start3A_7] : memref<5120x64xf32, #tpu.memory_space<hbm>> -> memref<160x64xf32, #tpu.memory_space<hbm>>
      %dma_start3A_9 = arith.constant 0 : i32
      %dma_start3A_10 = tpu.memref_slice %arg4[%mul3A_2, %dma_start3A_9] : memref<5120x64xf32, #tpu.memory_space<hbm>> -> memref<160x64xf32, #tpu.memory_space<hbm>>
      tpu.enqueue_dma source(%arg6 : memref<160x64xf32, #tpu.memory_space<vmem>>) target(%dma_start3A_10 : memref<160x64xf32, #tpu.memory_space<hbm>>) target_semaphore(%run_scoped3A : memref<!tpu.dma_semaphore, #tpu.memory_space<semaphore_mem>>)
      %dma_wait3A_11 = arith.constant 0 : i32
      %dma_wait3A_12 = tpu.memref_slice %arg4[%mul3A_2, %dma_wait3A_11] : memref<5120x64xf32, #tpu.memory_space<hbm>> -> memref<160x64xf32, #tpu.memory_space<hbm>>
      %dma_wait3A_13 = arith.constant 0 : i32
      %dma_wait3A_14 = tpu.memref_slice %arg4[%mul3A_2, %dma_wait3A_13] : memref<5120x64xf32, #tpu.memory_space<hbm>> -> memref<160x64xf32, #tpu.memory_space<hbm>>
      tpu.wait_dma2 semaphore(%run_scoped3A : memref<!tpu.dma_semaphore, #tpu.memory_space<semaphore_mem>>) src(%arg6 : memref<160x64xf32, #tpu.memory_space<vmem>>) dst(%dma_wait3A_14 : memref<160x64xf32, #tpu.memory_space<hbm>>)
      tpu.yield
    }) : () -> ()
    return
  }
}

module attributes {stable_mosaic.version = 14 : i64} {
  func.func @_topk_body(%arg0: i32, %arg1: i32, %arg2: memref<1024x128xf32, #tpu.memory_space<vmem>>, %arg3: memref<1024x128xf32, #tpu.memory_space<vmem>>, %arg4: memref<4096x64xf32, #tpu.memory_space<vmem>>, %arg5: memref<4096x64xf32, #tpu.memory_space<vmem>>, %arg6: memref<1024x8xf32, #tpu.memory_space<vmem>>, %arg7: memref<1024x8xi32, #tpu.memory_space<vmem>>, %arg8: memref<1024x8xf32, #tpu.memory_space<vmem>>, %arg9: memref<1024x8xf32, #tpu.memory_space<vmem>>) attributes {dimension_semantics = [#tpu.dimension_semantics<arbitrary>, #tpu.dimension_semantics<arbitrary>], iteration_bounds = array<i64: 1, 25>, scalar_prefetch = 0 : i64, scratch_operands = 2 : i64, tpu.core_type = #tpu.core_type<tc>, window_params = [{transform_indices = @transform_0, window_bounds = array<i64: 1024, 128>}, {transform_indices = @transform_1, window_bounds = array<i64: 1024, 128>}, {transform_indices = @transform_2, window_bounds = array<i64: 4096, 64>}, {transform_indices = @transform_3, window_bounds = array<i64: 4096, 64>}, {transform_indices = @transform_4, window_bounds = array<i64: 1024, 8>}, {transform_indices = @transform_5, window_bounds = array<i64: 1024, 8>}]} {
    %eq3A = arith.constant 0 : i32
    %eq3A_0 = arith.cmpi eq, %arg1, %eq3A : i32
    %convert_element_type3A = arith.extui %eq3A_0 : i1 to i32
    %cond3A = arith.constant 0 : i32
    %cond3A_1 = arith.cmpi ne, %convert_element_type3A, %cond3A : i32
    scf.if %cond3A_1 {
      %broadcast_in_dim3A_215 = arith.constant 0x7F800000 : f32
      %broadcast_in_dim3A_216 = vector.broadcast %broadcast_in_dim3A_215 : f32 to vector<1024x8xf32>
      %swap3A_217 = arith.constant 0 : index
      %swap3A_218 = arith.constant 0 : index
      %swap3A_219 = vector.load %arg8[%swap3A_217, %swap3A_218] : memref<1024x8xf32, #tpu.memory_space<vmem>>, vector<1024x8xf32>
      tpu.vector_store %arg8[%swap3A_217, %swap3A_218], %broadcast_in_dim3A_216 {strides = array<i32>} : memref<1024x8xf32, #tpu.memory_space<vmem>>, vector<1024x8xf32>,
      %broadcast_in_dim3A_220 = arith.constant 0x4B800000 : f32
      %broadcast_in_dim3A_221 = vector.broadcast %broadcast_in_dim3A_220 : f32 to vector<1024x8xf32>
      %swap3A_222 = arith.constant 0 : index
      %swap3A_223 = arith.constant 0 : index
      %swap3A_224 = vector.load %arg9[%swap3A_222, %swap3A_223] : memref<1024x8xf32, #tpu.memory_space<vmem>>, vector<1024x8xf32>
      tpu.vector_store %arg9[%swap3A_222, %swap3A_223], %broadcast_in_dim3A_221 {strides = array<i32>} : memref<1024x8xf32, #tpu.memory_space<vmem>>, vector<1024x8xf32>,
    } else {
    }
    %get3A = arith.constant 0 : index
    %get3A_2 = arith.constant 0 : index
    %get3A_3 = vector.load %arg2[%get3A, %get3A_2] : memref<1024x128xf32, #tpu.memory_space<vmem>>, vector<1024x128xf32>
    %get3A_4 = arith.constant 0 : index
    %get3A_5 = arith.constant 0 : index
    %get3A_6 = vector.load %arg3[%get3A_4, %get3A_5] : memref<1024x128xf32, #tpu.memory_space<vmem>>, vector<1024x128xf32>
    %get3A_7 = arith.constant 0 : index
    %get3A_8 = arith.constant 0 : index
    %get3A_9 = vector.load %arg4[%get3A_7, %get3A_8] : memref<4096x64xf32, #tpu.memory_space<vmem>>, vector<4096x64xf32>
    %get3A_10 = arith.constant 0 : index
    %get3A_11 = arith.constant 0 : index
    %get3A_12 = vector.load %arg5[%get3A_10, %get3A_11] : memref<4096x64xf32, #tpu.memory_space<vmem>>, vector<4096x64xf32>
    %concatenate3A = tpu.concatenate %get3A_9, %get3A_12 in 1 : vector<4096x64xf32>, vector<4096x64xf32> -> vector<4096x128xf32>
    %mul3A = arith.mulf %get3A_3, %get3A_3 : vector<1024x128xf32>
    %reduce_sum3A = arith.constant dense<0.000000e+00> : vector<1024xf32>
    %reduce_sum3A_13 = vector.multi_reduction <add>, %mul3A, %reduce_sum3A [1] : vector<1024x128xf32> to vector<1024xf32>
    %broadcast_in_dim3A = vector.shape_cast %reduce_sum3A_13 : vector<1024xf32> to vector<1024x1xf32>
    %mul3A_14 = arith.mulf %concatenate3A, %concatenate3A : vector<4096x128xf32>
    %reduce_sum3A_15 = arith.constant dense<0.000000e+00> : vector<4096xf32>
    %reduce_sum3A_16 = vector.multi_reduction <add>, %mul3A_14, %reduce_sum3A_15 [1] : vector<4096x128xf32> to vector<4096xf32>
    %dot_general3A = arith.constant dense<0.000000e+00> : vector<1024x4096xf32>
    %dot_general3A_17 = tpu.matmul %get3A_6, %concatenate3A, %dot_general3A {dimension_numbers = #tpu.dot_dimension_numbers<[1], [1], [0], [0], [0, 0, 1, 0], [], []>, transpose_lhs_hint = false} : vector<1024x128xf32>, vector<4096x128xf32>, vector<1024x4096xf32> -> vector<1024x4096xf32>
    %add3A = vector.broadcast %broadcast_in_dim3A : vector<1024x1xf32> to vector<1024x4096xf32>
    %add3A_18 = arith.addf %add3A, %dot_general3A_17 : vector<1024x4096xf32>
    %broadcast_in_dim3A_19 = vector.shape_cast %reduce_sum3A_16 : vector<4096xf32> to vector<1x4096xf32>
    %add3A_20 = vector.broadcast %broadcast_in_dim3A_19 : vector<1x4096xf32> to vector<1024x4096xf32>
    %add3A_21 = arith.addf %add3A_18, %add3A_20 : vector<1024x4096xf32>
    %iota3A = tpu.iota {dimensions = array<i32: 1>} : vector<1024x4096xi32>
    %convert_element_type3A_22 = arith.sitofp %iota3A : vector<1024x4096xi32> to vector<1024x4096xf32>
    %mul3A_23 = arith.constant 4096 : i32
    %mul3A_24 = arith.muli %arg1, %mul3A_23 : i32
    %convert_element_type3A_25 = arith.sitofp %mul3A_24 : i32 to f32
    %sub3A = arith.constant 1.000000e+05 : f32
    %sub3A_26 = arith.subf %sub3A, %convert_element_type3A_25 : f32
    %lt3A = vector.broadcast %sub3A_26 : f32 to vector<1024x4096xf32>
    %lt3A_27 = arith.cmpf olt, %convert_element_type3A_22, %lt3A : vector<1024x4096xf32>
    %jit3A = arith.constant 0x7F800000 : f32
    %broadcast_in_dim3A_28 = vector.broadcast %jit3A : f32 to vector<1024x4096xf32>
    %select_n3A = arith.select %lt3A_27, %add3A_21, %broadcast_in_dim3A_28 : vector<1024x4096xi1>, vector<1024x4096xf32>
    %reduce_min3A = arith.constant dense<0x7F800000> : vector<1024xf32>
    %reduce_min3A_29 = vector.multi_reduction <minimumf>, %select_n3A, %reduce_min3A [1] : vector<1024x4096xf32> to vector<1024xf32>
    %broadcast_in_dim3A_30 = vector.shape_cast %reduce_min3A_29 : vector<1024xf32> to vector<1024x1xf32>
    %eq3A_31 = vector.broadcast %broadcast_in_dim3A_30 : vector<1024x1xf32> to vector<1024x4096xf32>
    %eq3A_32 = arith.cmpf oeq, %select_n3A, %eq3A_31 : vector<1024x4096xf32>
    %jit3A_33 = arith.constant 0x4B800000 : f32
    %broadcast_in_dim3A_34 = vector.broadcast %jit3A_33 : f32 to vector<1024x4096xf32>
    %select_n3A_35 = arith.select %eq3A_32, %convert_element_type3A_22, %broadcast_in_dim3A_34 : vector<1024x4096xi1>, vector<1024x4096xf32>
    %reduce_min3A_36 = arith.constant dense<0x7F800000> : vector<1024xf32>
    %reduce_min3A_37 = vector.multi_reduction <minimumf>, %select_n3A_35, %reduce_min3A_36 [1] : vector<1024x4096xf32> to vector<1024xf32>
    %broadcast_in_dim3A_38 = vector.shape_cast %reduce_min3A_37 : vector<1024xf32> to vector<1024x1xf32>
    %eq3A_39 = vector.broadcast %broadcast_in_dim3A_38 : vector<1024x1xf32> to vector<1024x4096xf32>
    %eq3A_40 = arith.cmpf oeq, %convert_element_type3A_22, %eq3A_39 : vector<1024x4096xf32>
    %jit3A_41 = arith.constant 0x7F800000 : f32
    %broadcast_in_dim3A_42 = vector.broadcast %jit3A_41 : f32 to vector<1024x4096xf32>
    %select_n3A_43 = arith.select %eq3A_40, %broadcast_in_dim3A_42, %select_n3A : vector<1024x4096xi1>, vector<1024x4096xf32>
    %reduce_min3A_44 = arith.constant dense<0x7F800000> : vector<1024xf32>
    %reduce_min3A_45 = vector.multi_reduction <minimumf>, %select_n3A_43, %reduce_min3A_44 [1] : vector<1024x4096xf32> to vector<1024xf32>
    %broadcast_in_dim3A_46 = vector.shape_cast %reduce_min3A_45 : vector<1024xf32> to vector<1024x1xf32>
    %eq3A_47 = vector.broadcast %broadcast_in_dim3A_46 : vector<1024x1xf32> to vector<1024x4096xf32>
    %eq3A_48 = arith.cmpf oeq, %select_n3A_43, %eq3A_47 : vector<1024x4096xf32>
    %jit3A_49 = arith.constant 0x4B800000 : f32
    %broadcast_in_dim3A_50 = vector.broadcast %jit3A_49 : f32 to vector<1024x4096xf32>
    %select_n3A_51 = arith.select %eq3A_48, %convert_element_type3A_22, %broadcast_in_dim3A_50 : vector<1024x4096xi1>, vector<1024x4096xf32>
    %reduce_min3A_52 = arith.constant dense<0x7F800000> : vector<1024xf32>
    %reduce_min3A_53 = vector.multi_reduction <minimumf>, %select_n3A_51, %reduce_min3A_52 [1] : vector<1024x4096xf32> to vector<1024xf32>
    %broadcast_in_dim3A_54 = vector.shape_cast %reduce_min3A_53 : vector<1024xf32> to vector<1024x1xf32>
    %eq3A_55 = vector.broadcast %broadcast_in_dim3A_54 : vector<1024x1xf32> to vector<1024x4096xf32>
    %eq3A_56 = arith.cmpf oeq, %convert_element_type3A_22, %eq3A_55 : vector<1024x4096xf32>
    %jit3A_57 = arith.constant 0x7F800000 : f32
    %broadcast_in_dim3A_58 = vector.broadcast %jit3A_57 : f32 to vector<1024x4096xf32>
    %select_n3A_59 = arith.select %eq3A_56, %broadcast_in_dim3A_58, %select_n3A_43 : vector<1024x4096xi1>, vector<1024x4096xf32>
    %reduce_min3A_60 = arith.constant dense<0x7F800000> : vector<1024xf32>
    %reduce_min3A_61 = vector.multi_reduction <minimumf>, %select_n3A_59, %reduce_min3A_60 [1] : vector<1024x4096xf32> to vector<1024xf32>
    %broadcast_in_dim3A_62 = vector.shape_cast %reduce_min3A_61 : vector<1024xf32> to vector<1024x1xf32>
    %eq3A_63 = vector.broadcast %broadcast_in_dim3A_62 : vector<1024x1xf32> to vector<1024x4096xf32>
    %eq3A_64 = arith.cmpf oeq, %select_n3A_59, %eq3A_63 : vector<1024x4096xf32>
    %jit3A_65 = arith.constant 0x4B800000 : f32
    %broadcast_in_dim3A_66 = vector.broadcast %jit3A_65 : f32 to vector<1024x4096xf32>
    %select_n3A_67 = arith.select %eq3A_64, %convert_element_type3A_22, %broadcast_in_dim3A_66 : vector<1024x4096xi1>, vector<1024x4096xf32>
    %reduce_min3A_68 = arith.constant dense<0x7F800000> : vector<1024xf32>
    %reduce_min3A_69 = vector.multi_reduction <minimumf>, %select_n3A_67, %reduce_min3A_68 [1] : vector<1024x4096xf32> to vector<1024xf32>
    %broadcast_in_dim3A_70 = vector.shape_cast %reduce_min3A_69 : vector<1024xf32> to vector<1024x1xf32>
    %eq3A_71 = vector.broadcast %broadcast_in_dim3A_70 : vector<1024x1xf32> to vector<1024x4096xf32>
    %eq3A_72 = arith.cmpf oeq, %convert_element_type3A_22, %eq3A_71 : vector<1024x4096xf32>
    %jit3A_73 = arith.constant 0x7F800000 : f32
    %broadcast_in_dim3A_74 = vector.broadcast %jit3A_73 : f32 to vector<1024x4096xf32>
    %select_n3A_75 = arith.select %eq3A_72, %broadcast_in_dim3A_74, %select_n3A_59 : vector<1024x4096xi1>, vector<1024x4096xf32>
    %reduce_min3A_76 = arith.constant dense<0x7F800000> : vector<1024xf32>
    %reduce_min3A_77 = vector.multi_reduction <minimumf>, %select_n3A_75, %reduce_min3A_76 [1] : vector<1024x4096xf32> to vector<1024xf32>
    %broadcast_in_dim3A_78 = vector.shape_cast %reduce_min3A_77 : vector<1024xf32> to vector<1024x1xf32>
    %eq3A_79 = vector.broadcast %broadcast_in_dim3A_78 : vector<1024x1xf32> to vector<1024x4096xf32>
    %eq3A_80 = arith.cmpf oeq, %select_n3A_75, %eq3A_79 : vector<1024x4096xf32>
    %jit3A_81 = arith.constant 0x4B800000 : f32
    %broadcast_in_dim3A_82 = vector.broadcast %jit3A_81 : f32 to vector<1024x4096xf32>
    %select_n3A_83 = arith.select %eq3A_80, %convert_element_type3A_22, %broadcast_in_dim3A_82 : vector<1024x4096xi1>, vector<1024x4096xf32>
    %reduce_min3A_84 = arith.constant dense<0x7F800000> : vector<1024xf32>
    %reduce_min3A_85 = vector.multi_reduction <minimumf>, %select_n3A_83, %reduce_min3A_84 [1] : vector<1024x4096xf32> to vector<1024xf32>
    %broadcast_in_dim3A_86 = vector.shape_cast %reduce_min3A_85 : vector<1024xf32> to vector<1024x1xf32>
    %eq3A_87 = vector.broadcast %broadcast_in_dim3A_86 : vector<1024x1xf32> to vector<1024x4096xf32>
    %eq3A_88 = arith.cmpf oeq, %convert_element_type3A_22, %eq3A_87 : vector<1024x4096xf32>
    %jit3A_89 = arith.constant 0x7F800000 : f32
    %broadcast_in_dim3A_90 = vector.broadcast %jit3A_89 : f32 to vector<1024x4096xf32>
    %select_n3A_91 = arith.select %eq3A_88, %broadcast_in_dim3A_90, %select_n3A_75 : vector<1024x4096xi1>, vector<1024x4096xf32>
    %reduce_min3A_92 = arith.constant dense<0x7F800000> : vector<1024xf32>
    %reduce_min3A_93 = vector.multi_reduction <minimumf>, %select_n3A_91, %reduce_min3A_92 [1] : vector<1024x4096xf32> to vector<1024xf32>
    %broadcast_in_dim3A_94 = vector.shape_cast %reduce_min3A_93 : vector<1024xf32> to vector<1024x1xf32>
    %eq3A_95 = vector.broadcast %broadcast_in_dim3A_94 : vector<1024x1xf32> to vector<1024x4096xf32>
    %eq3A_96 = arith.cmpf oeq, %select_n3A_91, %eq3A_95 : vector<1024x4096xf32>
    %jit3A_97 = arith.constant 0x4B800000 : f32
    %broadcast_in_dim3A_98 = vector.broadcast %jit3A_97 : f32 to vector<1024x4096xf32>
    %select_n3A_99 = arith.select %eq3A_96, %convert_element_type3A_22, %broadcast_in_dim3A_98 : vector<1024x4096xi1>, vector<1024x4096xf32>
    %reduce_min3A_100 = arith.constant dense<0x7F800000> : vector<1024xf32>
    %reduce_min3A_101 = vector.multi_reduction <minimumf>, %select_n3A_99, %reduce_min3A_100 [1] : vector<1024x4096xf32> to vector<1024xf32>
    %broadcast_in_dim3A_102 = vector.shape_cast %reduce_min3A_101 : vector<1024xf32> to vector<1024x1xf32>
    %mul3A_103 = arith.constant 4096 : i32
    %mul3A_104 = arith.muli %arg1, %mul3A_103 : i32
    %convert_element_type3A_105 = arith.sitofp %mul3A_104 : i32 to f32
    %add3A_106 = vector.broadcast %convert_element_type3A_105 : f32 to vector<1024x1xf32>
    %add3A_107 = arith.addf %broadcast_in_dim3A_38, %add3A_106 : vector<1024x1xf32>
    %add3A_108 = vector.broadcast %convert_element_type3A_105 : f32 to vector<1024x1xf32>
    %add3A_109 = arith.addf %broadcast_in_dim3A_54, %add3A_108 : vector<1024x1xf32>
    %add3A_110 = vector.broadcast %convert_element_type3A_105 : f32 to vector<1024x1xf32>
    %add3A_111 = arith.addf %broadcast_in_dim3A_70, %add3A_110 : vector<1024x1xf32>
    %add3A_112 = vector.broadcast %convert_element_type3A_105 : f32 to vector<1024x1xf32>
    %add3A_113 = arith.addf %broadcast_in_dim3A_86, %add3A_112 : vector<1024x1xf32>
    %add3A_114 = vector.broadcast %convert_element_type3A_105 : f32 to vector<1024x1xf32>
    %add3A_115 = arith.addf %broadcast_in_dim3A_102, %add3A_114 : vector<1024x1xf32>
    %get3A_116 = arith.constant 0 : index
    %get3A_117 = arith.constant 0 : index
    %get3A_118 = vector.load %arg8[%get3A_116, %get3A_117] : memref<1024x8xf32, #tpu.memory_space<vmem>>, vector<1024x8xf32>
    %concatenate3A_119 = tpu.concatenate %get3A_118, %broadcast_in_dim3A_30, %broadcast_in_dim3A_46, %broadcast_in_dim3A_62, %broadcast_in_dim3A_78, %broadcast_in_dim3A_94 in 1 : vector<1024x8xf32>, vector<1024x1xf32>, vector<1024x1xf32>, vector<1024x1xf32>, vector<1024x1xf32>, vector<1024x1xf32> -> vector<1024x13xf32>
    %get3A_120 = arith.constant 0 : index
    %get3A_121 = arith.constant 0 : index
    %get3A_122 = vector.load %arg9[%get3A_120, %get3A_121] : memref<1024x8xf32, #tpu.memory_space<vmem>>, vector<1024x8xf32>
    %concatenate3A_123 = tpu.concatenate %get3A_122, %add3A_107, %add3A_109, %add3A_111, %add3A_113, %add3A_115 in 1 : vector<1024x8xf32>, vector<1024x1xf32>, vector<1024x1xf32>, vector<1024x1xf32>, vector<1024x1xf32>, vector<1024x1xf32> -> vector<1024x13xf32>
    %reduce_min3A_124 = arith.constant dense<0x7F800000> : vector<1024xf32>
    %reduce_min3A_125 = vector.multi_reduction <minimumf>, %concatenate3A_119, %reduce_min3A_124 [1] : vector<1024x13xf32> to vector<1024xf32>
    %broadcast_in_dim3A_126 = vector.shape_cast %reduce_min3A_125 : vector<1024xf32> to vector<1024x1xf32>
    %eq3A_127 = vector.broadcast %broadcast_in_dim3A_126 : vector<1024x1xf32> to vector<1024x13xf32>
    %eq3A_128 = arith.cmpf oeq, %concatenate3A_119, %eq3A_127 : vector<1024x13xf32>
    %jit3A_129 = arith.constant 0x4B800000 : f32
    %broadcast_in_dim3A_130 = vector.broadcast %jit3A_129 : f32 to vector<1024x13xf32>
    %select_n3A_131 = arith.select %eq3A_128, %concatenate3A_123, %broadcast_in_dim3A_130 : vector<1024x13xi1>, vector<1024x13xf32>
    %reduce_min3A_132 = arith.constant dense<0x7F800000> : vector<1024xf32>
    %reduce_min3A_133 = vector.multi_reduction <minimumf>, %select_n3A_131, %reduce_min3A_132 [1] : vector<1024x13xf32> to vector<1024xf32>
    %broadcast_in_dim3A_134 = vector.shape_cast %reduce_min3A_133 : vector<1024xf32> to vector<1024x1xf32>
    %eq3A_135 = vector.broadcast %broadcast_in_dim3A_134 : vector<1024x1xf32> to vector<1024x13xf32>
    %eq3A_136 = arith.cmpf oeq, %concatenate3A_123, %eq3A_135 : vector<1024x13xf32>
    %jit3A_137 = arith.constant 0x7F800000 : f32
    %broadcast_in_dim3A_138 = vector.broadcast %jit3A_137 : f32 to vector<1024x13xf32>
    %select_n3A_139 = arith.select %eq3A_136, %broadcast_in_dim3A_138, %concatenate3A_119 : vector<1024x13xi1>, vector<1024x13xf32>
    %reduce_min3A_140 = arith.constant dense<0x7F800000> : vector<1024xf32>
    %reduce_min3A_141 = vector.multi_reduction <minimumf>, %select_n3A_139, %reduce_min3A_140 [1] : vector<1024x13xf32> to vector<1024xf32>
    %broadcast_in_dim3A_142 = vector.shape_cast %reduce_min3A_141 : vector<1024xf32> to vector<1024x1xf32>
    %eq3A_143 = vector.broadcast %broadcast_in_dim3A_142 : vector<1024x1xf32> to vector<1024x13xf32>
    %eq3A_144 = arith.cmpf oeq, %select_n3A_139, %eq3A_143 : vector<1024x13xf32>
    %jit3A_145 = arith.constant 0x4B800000 : f32
    %broadcast_in_dim3A_146 = vector.broadcast %jit3A_145 : f32 to vector<1024x13xf32>
    %select_n3A_147 = arith.select %eq3A_144, %concatenate3A_123, %broadcast_in_dim3A_146 : vector<1024x13xi1>, vector<1024x13xf32>
    %reduce_min3A_148 = arith.constant dense<0x7F800000> : vector<1024xf32>
    %reduce_min3A_149 = vector.multi_reduction <minimumf>, %select_n3A_147, %reduce_min3A_148 [1] : vector<1024x13xf32> to vector<1024xf32>
    %broadcast_in_dim3A_150 = vector.shape_cast %reduce_min3A_149 : vector<1024xf32> to vector<1024x1xf32>
    %eq3A_151 = vector.broadcast %broadcast_in_dim3A_150 : vector<1024x1xf32> to vector<1024x13xf32>
    %eq3A_152 = arith.cmpf oeq, %concatenate3A_123, %eq3A_151 : vector<1024x13xf32>
    %jit3A_153 = arith.constant 0x7F800000 : f32
    %broadcast_in_dim3A_154 = vector.broadcast %jit3A_153 : f32 to vector<1024x13xf32>
    %select_n3A_155 = arith.select %eq3A_152, %broadcast_in_dim3A_154, %select_n3A_139 : vector<1024x13xi1>, vector<1024x13xf32>
    %reduce_min3A_156 = arith.constant dense<0x7F800000> : vector<1024xf32>
    %reduce_min3A_157 = vector.multi_reduction <minimumf>, %select_n3A_155, %reduce_min3A_156 [1] : vector<1024x13xf32> to vector<1024xf32>
    %broadcast_in_dim3A_158 = vector.shape_cast %reduce_min3A_157 : vector<1024xf32> to vector<1024x1xf32>
    %eq3A_159 = vector.broadcast %broadcast_in_dim3A_158 : vector<1024x1xf32> to vector<1024x13xf32>
    %eq3A_160 = arith.cmpf oeq, %select_n3A_155, %eq3A_159 : vector<1024x13xf32>
    %jit3A_161 = arith.constant 0x4B800000 : f32
    %broadcast_in_dim3A_162 = vector.broadcast %jit3A_161 : f32 to vector<1024x13xf32>
    %select_n3A_163 = arith.select %eq3A_160, %concatenate3A_123, %broadcast_in_dim3A_162 : vector<1024x13xi1>, vector<1024x13xf32>
    %reduce_min3A_164 = arith.constant dense<0x7F800000> : vector<1024xf32>
    %reduce_min3A_165 = vector.multi_reduction <minimumf>, %select_n3A_163, %reduce_min3A_164 [1] : vector<1024x13xf32> to vector<1024xf32>
    %broadcast_in_dim3A_166 = vector.shape_cast %reduce_min3A_165 : vector<1024xf32> to vector<1024x1xf32>
    %eq3A_167 = vector.broadcast %broadcast_in_dim3A_166 : vector<1024x1xf32> to vector<1024x13xf32>
    %eq3A_168 = arith.cmpf oeq, %concatenate3A_123, %eq3A_167 : vector<1024x13xf32>
    %jit3A_169 = arith.constant 0x7F800000 : f32
    %broadcast_in_dim3A_170 = vector.broadcast %jit3A_169 : f32 to vector<1024x13xf32>
    %select_n3A_171 = arith.select %eq3A_168, %broadcast_in_dim3A_170, %select_n3A_155 : vector<1024x13xi1>, vector<1024x13xf32>
    %reduce_min3A_172 = arith.constant dense<0x7F800000> : vector<1024xf32>
    %reduce_min3A_173 = vector.multi_reduction <minimumf>, %select_n3A_171, %reduce_min3A_172 [1] : vector<1024x13xf32> to vector<1024xf32>
    %broadcast_in_dim3A_174 = vector.shape_cast %reduce_min3A_173 : vector<1024xf32> to vector<1024x1xf32>
    %eq3A_175 = vector.broadcast %broadcast_in_dim3A_174 : vector<1024x1xf32> to vector<1024x13xf32>
    %eq3A_176 = arith.cmpf oeq, %select_n3A_171, %eq3A_175 : vector<1024x13xf32>
    %jit3A_177 = arith.constant 0x4B800000 : f32
    %broadcast_in_dim3A_178 = vector.broadcast %jit3A_177 : f32 to vector<1024x13xf32>
    %select_n3A_179 = arith.select %eq3A_176, %concatenate3A_123, %broadcast_in_dim3A_178 : vector<1024x13xi1>, vector<1024x13xf32>
    %reduce_min3A_180 = arith.constant dense<0x7F800000> : vector<1024xf32>
    %reduce_min3A_181 = vector.multi_reduction <minimumf>, %select_n3A_179, %reduce_min3A_180 [1] : vector<1024x13xf32> to vector<1024xf32>
    %broadcast_in_dim3A_182 = vector.shape_cast %reduce_min3A_181 : vector<1024xf32> to vector<1024x1xf32>
    %eq3A_183 = vector.broadcast %broadcast_in_dim3A_182 : vector<1024x1xf32> to vector<1024x13xf32>
    %eq3A_184 = arith.cmpf oeq, %concatenate3A_123, %eq3A_183 : vector<1024x13xf32>
    %jit3A_185 = arith.constant 0x7F800000 : f32
    %broadcast_in_dim3A_186 = vector.broadcast %jit3A_185 : f32 to vector<1024x13xf32>
    %select_n3A_187 = arith.select %eq3A_184, %broadcast_in_dim3A_186, %select_n3A_171 : vector<1024x13xi1>, vector<1024x13xf32>
    %reduce_min3A_188 = arith.constant dense<0x7F800000> : vector<1024xf32>
    %reduce_min3A_189 = vector.multi_reduction <minimumf>, %select_n3A_187, %reduce_min3A_188 [1] : vector<1024x13xf32> to vector<1024xf32>
    %broadcast_in_dim3A_190 = vector.shape_cast %reduce_min3A_189 : vector<1024xf32> to vector<1024x1xf32>
    %eq3A_191 = vector.broadcast %broadcast_in_dim3A_190 : vector<1024x1xf32> to vector<1024x13xf32>
    %eq3A_192 = arith.cmpf oeq, %select_n3A_187, %eq3A_191 : vector<1024x13xf32>
    %jit3A_193 = arith.constant 0x4B800000 : f32
    %broadcast_in_dim3A_194 = vector.broadcast %jit3A_193 : f32 to vector<1024x13xf32>
    %select_n3A_195 = arith.select %eq3A_192, %concatenate3A_123, %broadcast_in_dim3A_194 : vector<1024x13xi1>, vector<1024x13xf32>
    %reduce_min3A_196 = arith.constant dense<0x7F800000> : vector<1024xf32>
    %reduce_min3A_197 = vector.multi_reduction <minimumf>, %select_n3A_195, %reduce_min3A_196 [1] : vector<1024x13xf32> to vector<1024xf32>
    %broadcast_in_dim3A_198 = vector.shape_cast %reduce_min3A_197 : vector<1024xf32> to vector<1024x1xf32>
    %broadcast_in_dim3A_199 = arith.constant 0x7F800000 : f32
    %broadcast_in_dim3A_200 = vector.broadcast %broadcast_in_dim3A_199 : f32 to vector<1024x3xf32>
    %broadcast_in_dim3A_201 = arith.constant 0x4B800000 : f32
    %broadcast_in_dim3A_202 = vector.broadcast %broadcast_in_dim3A_201 : f32 to vector<1024x3xf32>
    %concatenate3A_203 = tpu.concatenate %broadcast_in_dim3A_126, %broadcast_in_dim3A_142, %broadcast_in_dim3A_158, %broadcast_in_dim3A_174, %broadcast_in_dim3A_190, %broadcast_in_dim3A_200 in 1 : vector<1024x1xf32>, vector<1024x1xf32>, vector<1024x1xf32>, vector<1024x1xf32>, vector<1024x1xf32>, vector<1024x3xf32> -> vector<1024x8xf32>
    %concatenate3A_204 = tpu.concatenate %broadcast_in_dim3A_134, %broadcast_in_dim3A_150, %broadcast_in_dim3A_166, %broadcast_in_dim3A_182, %broadcast_in_dim3A_198, %broadcast_in_dim3A_202 in 1 : vector<1024x1xf32>, vector<1024x1xf32>, vector<1024x1xf32>, vector<1024x1xf32>, vector<1024x1xf32>, vector<1024x3xf32> -> vector<1024x8xf32>
    %swap3A = arith.constant 0 : index
    %swap3A_205 = arith.constant 0 : index
    %swap3A_206 = vector.load %arg8[%swap3A, %swap3A_205] : memref<1024x8xf32, #tpu.memory_space<vmem>>, vector<1024x8xf32>
    tpu.vector_store %arg8[%swap3A, %swap3A_205], %concatenate3A_203 {strides = array<i32>} : memref<1024x8xf32, #tpu.memory_space<vmem>>, vector<1024x8xf32>,
    %swap3A_207 = arith.constant 0 : index
    %swap3A_208 = arith.constant 0 : index
    %swap3A_209 = vector.load %arg9[%swap3A_207, %swap3A_208] : memref<1024x8xf32, #tpu.memory_space<vmem>>, vector<1024x8xf32>
    tpu.vector_store %arg9[%swap3A_207, %swap3A_208], %concatenate3A_204 {strides = array<i32>} : memref<1024x8xf32, #tpu.memory_space<vmem>>, vector<1024x8xf32>,
    %eq3A_210 = arith.constant 24 : i32
    %eq3A_211 = arith.cmpi eq, %arg1, %eq3A_210 : i32
    %convert_element_type3A_212 = arith.extui %eq3A_211 : i1 to i32
    %cond3A_213 = arith.constant 0 : i32
    %cond3A_214 = arith.cmpi ne, %convert_element_type3A_212, %cond3A_213 : i32
    scf.if %cond3A_214 {
      %mul3A_215 = arith.constant -5.000000e-01 : f32
      %mul3A_216 = vector.broadcast %mul3A_215 : f32 to vector<1024x8xf32>
      %mul3A_217 = arith.mulf %concatenate3A_203, %mul3A_216 : vector<1024x8xf32>
      %exp3A = math.exp %mul3A_217 : vector<1024x8xf32>
      %swap3A_218 = arith.constant 0 : index
      %swap3A_219 = arith.constant 0 : index
      %swap3A_220 = vector.load %arg6[%swap3A_218, %swap3A_219] : memref<1024x8xf32, #tpu.memory_space<vmem>>, vector<1024x8xf32>
      tpu.vector_store %arg6[%swap3A_218, %swap3A_219], %exp3A {strides = array<i32>} : memref<1024x8xf32, #tpu.memory_space<vmem>>, vector<1024x8xf32>,
      %convert_element_type3A_221 = arith.fptosi %concatenate3A_204 : vector<1024x8xf32> to vector<1024x8xi32>
      %swap3A_222 = arith.constant 0 : index
      %swap3A_223 = arith.constant 0 : index
      %swap3A_224 = vector.load %arg7[%swap3A_222, %swap3A_223] : memref<1024x8xi32, #tpu.memory_space<vmem>>, vector<1024x8xi32>
      tpu.vector_store %arg7[%swap3A_222, %swap3A_223], %convert_element_type3A_221 {strides = array<i32>} : memref<1024x8xi32, #tpu.memory_space<vmem>>, vector<1024x8xi32>,
    } else {
    }
    return
  }
  func.func @transform_0(%arg0: i32, %arg1: i32) -> (i32, i32) {
    %c0_i32 = arith.constant 0 : i32
    %c0_i32_0 = arith.constant 0 : i32
    return %arg0, %c0_i32 : i32, i32
  }
  func.func @transform_1(%arg0: i32, %arg1: i32) -> (i32, i32) {
    %c0_i32 = arith.constant 0 : i32
    %c0_i32_0 = arith.constant 0 : i32
    return %arg0, %c0_i32 : i32, i32
  }
  func.func @transform_2(%arg0: i32, %arg1: i32) -> (i32, i32) {
    %c0_i32 = arith.constant 0 : i32
    %c0_i32_0 = arith.constant 0 : i32
    return %arg1, %c0_i32 : i32, i32
  }
  func.func @transform_3(%arg0: i32, %arg1: i32) -> (i32, i32) {
    %c0_i32 = arith.constant 0 : i32
    %c0_i32_0 = arith.constant 0 : i32
    return %arg1, %c0_i32 : i32, i32
  }
  func.func @transform_4(%arg0: i32, %arg1: i32) -> (i32, i32) {
    %c0_i32 = arith.constant 0 : i32
    %c0_i32_0 = arith.constant 0 : i32
    return %arg0, %c0_i32 : i32, i32
  }
  func.func @transform_5(%arg0: i32, %arg1: i32) -> (i32, i32) {
    %c0_i32 = arith.constant 0 : i32
    %c0_i32_0 = arith.constant 0 : i32
    return %arg0, %c0_i32 : i32, i32
  }
}

</mosaic_0001>

<sc_bundles>
// kernel: kernel.4.cloned.1.call-start
scs
__scs_entry_jumppad:
0x0: {  	(pc) =	sbr.rel $0x88, $3  }
0x1: {  	(tag) =	ssettag $0x0;
	lr =	simm.s32 $0x1  }
0x2: {  	[smem:$0x3F9C] =	sst lr;
	_ =	strace $0xD0000000  }
0x3: {  	_ = 	snop  }
0x4: {  	_ = 	snop  }
0x5: {  	_ = 	snop  }
0x6: {  	_ = 	snop  }
0x7: {  	_ = 	snop  }
__scs_overlays_trampoline_lowered:
0x8: {  	[smem:$0x3FAB] =	sst s0  }
0x9: {  	[smem:$0x3FAC] =	sst s1  }
0xa: {  	[smem:$0x3FAD] =	sst s2  }
0xb: {  	[smem:$0x3FAE] =	sst s3  }
0xc: {  	[smem:$0x3FAF] =	sst s4  }
0xd: {  	[smem:$0x3FB0] =	sst s5  }
0xe: {  	[smem:$0x3FB1] =	sst s6  }
0xf: {  	[smem:$0x3FB2] =	sst s7  }
0x10: {  	[smem:$0x3FB3] =	sst s8  }
0x11: {  	[smem:$0x3FB4] =	sst s9;
	s0 =	simm.s32 @!p0 $0x0  }
0x12: {  	s1 =	sld [smem:$0x3F9A];
	s0 =	simm.s32 @p0 $0x1  }
0x13: {  	[smem:$0x3FB5] =	sst s0;
	s0 =	simm.s32 @!p1 $0x0  }
0x14: {  	s2 =	sld [smem:$0x3F99];
	s0 =	simm.s32 @p1 $0x1  }
0x15: {  	[smem:$0x3FB6] =	sst s0;
	s0 =	simm.s32 @!p2 $0x0  }
0x16: {  	s3 =	sld [smem:$0x3FDB];
	s0 =	simm.s32 @p2 $0x1  }
0x17: {  	s4 =	simm.s32 $0x1BF5;
	[smem:$0x3FB8] =	sst s0  }
0x18: {  	s0 =	sld [smem:$0x3F9B];
	_ =	swait.ge [sflag:s4], $0x0  }
0x19: {  	s7 =	sld [smem:$0x3F9C]  }
0x1a: {  	s8 =	sadd.s32 $0xFFFFE003, lr  }
0x1b: {  	s9 =	sadd.s32 $0xFFFFFEF7, lr;
	s5 =	simm.s32 $0xFFFFFFFF;
	p2 =	slt.u32 s8, $0xFFFFF086  }
0x1c: {  	p1 =	slt.u32 s9, $0xF7A;
	s5 =	simm.s32 @!p2 $0x0  }
0x1d: {  	s5 =	simm.s32 @p1 $0x1;
	p0 =	seq.s32 s7, s2  }
0x1e: {  	s7 =	smul.u32 @!p0 $0xF7A, s2;
	p2 =	seq.s32 @!p0 s5, $0x0  }
0x1f: {  	s9 =	smul.u32 $0xF7A, s1;
	s8 =	simm.s32 @!p0 $0x1BF5;
	p2 =	por !p2, p0  }
0x20: {  	[sflag:s8] =	ssyncset.s32 @!p0 $0xFFFFF086;
	s6 =	sadd.s32 @!p0 s3, s7;
	s7 =	simm.s32 @!p0 $0x108  }
0x21: {  	s3 =	sadd.s32 s3, s9;
	s6 =	sadd.s32 @!p0 $0x88, s6;
	s7 =	simm.s32 @p2 $0x1082  }
0x22: {  	[simem:s7], [sflag:s8] =	dma.local @!p0 [hbm:s6], $0xF7A  }
0x23: {  	s9 =	sor.u32 $0xD0000000, s2;
	s6 =	simm.s32 $0x108;
	_ =	swait.ge @!p0 [sflag:s8], $0x0  }
0x24: {  	s3 =	sadd.s32 $0x88, s3;
	s6 =	simm.s32 @!p1 $0x1082;
	[sflag:s4] =	ssyncset.s32 $0xFFFFF086  }
0x25: {  	[simem:s6], [sflag:s4] =	dma.local [hbm:s3], $0xF7A  }
0x26: {  	[smem:$0x3F9C] =	sst s1;
	(tag) =	ssettag s2;
	_ =	strace s9  }
0x27: {  	s1 =	sld [smem:$0x3FAC]  }
0x28: {  	s2 =	sld [smem:$0x3FAD]  }
0x29: {  	s4 =	sld [smem:$0x3FAF]  }
0x2a: {  	p0 =	seq.s32 s5, $0x0;
	s5 =	sld [smem:$0x3FB0]  }
0x2b: {  	s6 =	sld [smem:$0x3FB1]  }
0x2c: {  	s7 =	sld [smem:$0x3FB2]  }
0x2d: {  	s3 =	simm.s32 $0x108;
	s8 =	sld [smem:$0x3FB3]  }
0x2e: {  	s3 =	simm.s32 @!p0 $0x1082;
	s9 =	sld [smem:$0x3FB4]  }
0x2f: {  	lr =	sadd.s32 s0, s3;
	s0 =	sld [smem:$0x3FAB]  }
0x30: {  	s3 =	sld [smem:$0x3FAE]  }
0x31: {  	[smem:$0x3FB7] =	sst s10  }
0x32: {  	s10 =	sld [smem:$0x3FB5];
	_ =	sdelay $0x3  }
0x33: {  	p0 =	seq.s32 s10, $0x1;
	s10 =	sld [smem:$0x3FB7];
	_ =	sdelay $0x3  }
0x34: {  	[smem:$0x3FB7] =	sst s10  }
0x35: {  	s10 =	sld [smem:$0x3FB6];
	_ =	sdelay $0x3  }
0x36: {  	p1 =	seq.s32 s10, $0x1;
	s10 =	sld [smem:$0x3FB7];
	_ =	sdelay $0x3  }
0x37: {  	[smem:$0x3FB7] =	sst s10  }
0x38: {  	s10 =	sld [smem:$0x3FB8]  }
0x39: {  	_ = 	snop;
	(pc) =	sbr.ind lr, $3  }
0x3a: {  	_ = 	snop  }
0x3b: {  	_ = 	snop  }
0x3c: {  	p2 =	seq.s32 s10, $0x1;
	s10 =	sld [smem:$0x3FB7]  }
0x3d: {  	_ =	shalt  }
0x3e: {  	_ =	shalt  }
0x3f: {  	_ =	shalt  }
0x40: {  	_ =	shalt  }
0x41: {  	_ =	shalt  }
0x42: {  	_ =	shalt  }
0x43: {  	_ =	shalt  }
0x44: {  	_ =	shalt  }
0x45: {  	_ =	shalt  }
0x46: {  	_ =	shalt  }
0x47: {  	_ =	shalt  }
0x48: {  	_ =	shalt  }
0x49: {  	_ =	shalt  }
0x4a: {  	_ =	shalt  }
0x4b: {  	_ =	shalt  }
0x4c: {  	_ =	shalt  }
0x4d: {  	_ =	shalt  }
0x4e: {  	_ =	shalt  }
0x4f: {  	_ =	shalt  }
0x50: {  	_ =	shalt  }
0x51: {  	_ =	shalt  }
0x52: {  	_ =	shalt  }
0x53: {  	_ =	shalt  }
0x54: {  	_ =	shalt  }
0x55: {  	_ =	shalt  }
0x56: {  	_ =	shalt  }
0x57: {  	_ =	shalt  }
0x58: {  	_ =	shalt  }
0x59: {  	_ =	shalt  }
0x5a: {  	_ =	shalt  }
0x5b: {  	_ =	shalt  }
0x5c: {  	_ =	shalt  }
0x5d: {  	_ =	shalt  }
0x5e: {  	_ =	shalt  }
0x5f: {  	_ =	shalt  }
0x60: {  	_ =	shalt  }
0x61: {  	_ =	shalt  }
0x62: {  	_ =	shalt  }
0x63: {  	_ =	shalt  }
0x64: {  	_ =	shalt  }
0x65: {  	_ =	shalt  }
0x66: {  	_ =	shalt  }
0x67: {  	_ =	shalt  }
0x68: {  	_ =	shalt  }
0x69: {  	_ =	shalt  }
0x6a: {  	_ =	shalt  }
0x6b: {  	_ =	shalt  }
0x6c: {  	_ =	shalt  }
0x6d: {  	_ =	shalt  }
0x6e: {  	_ =	shalt  }
0x6f: {  	_ =	shalt  }
0x70: {  	_ =	shalt  }
0x71: {  	_ =	shalt  }
0x72: {  	_ =	shalt  }
0x73: {  	_ =	shalt  }
0x74: {  	_ =	shalt  }
0x75: {  	_ =	shalt  }
0x76: {  	_ =	shalt  }
0x77: {  	_ =	shalt  }
0x78: {  	_ =	shalt  }
0x79: {  	_ =	shalt  }
0x7a: {  	_ =	shalt  }
0x7b: {  	_ =	shalt  }
0x7c: {  	_ =	shalt  }
0x7d: {  	_ =	shalt  }
0x7e: {  	_ =	shalt  }
0x7f: {  	_ =	shalt  }
0x80: {  	_ =	shalt  }
0x81: {  	_ =	shalt  }
0x82: {  	_ =	shalt  }
0x83: {  	_ =	shalt  }
0x84: {  	_ =	shalt  }
0x85: {  	_ =	shalt  }
0x86: {  	_ =	shalt  }
0x87: {  	_ =	shalt  }
.Lfunc_end0:
.L_simem_size_0:
called_computation_lowered:
.L_overlay_start_0:
0x88: {  	s2 =	sld [smem:$0x3FD9]  }
0x89: {  	s3 =	sld [smem:$0x3FFE];
	_ =	sdelay $0x1  }
0x8a: {  	s1 =	srdreg.scid  }
0x8b: {  	s0 =	sand.u32 $0x1, s1  }
0x8c: {  	s14 =	sshll.u32 s0, $0xA;
	s2 =	sadd.s32 s3, s2  }
0x8d: {  	s2 =	sadd.s32 s2, s14  }
0x8e: {  	[smem:$0x3FC3] =	sst s2  }
0x8f: {  	_ = 	snop  }
0x90: {  	s2 =	sld [smem:$0x3FD0];
	_ =	sdelay $0x2  }
0x91: {  	s15 =	simm.s32 $0xA;
	s4 =	simm.s32 $0x10  }
0x92: {  	[smem:s4], [sflag:s15] =	dma.local [hbm:s2], $0x1  }
0x93: {  	_ =	swait.eq [sflag:s15], $0x1  }
0x94: {  	[sflag:s15] =	ssyncset.done $0x0  }
0x95: {  	[sflag:s15] =	ssyncadd.s32 $0xFFFFFFFF  }
0x96: {  	s16 =	sld [smem:$0x11];
	(tm) =	ssettm $0x1  }
0x97: {  	s17 =	sld [smem:$0x3FFB];
	_ =	sdelay $0x3  }
0x98: {  	_ =	strace s17  }
0x99: {  	s3 =	sld [smem:$0x3FFC];
	_ =	sdelay $0x3  }
0x9a: {  	_ =	strace s3  }
0x9b: {  	s3 =	sld [smem:$0x3FFD];
	_ =	sdelay $0x3  }
0x9c: {  	_ =	strace s3  }
0x9d: {  	_ =	strace $0x8FFFFFFF  }
0x9e: {  	s18 =	sld [smem:$0x3FDB];
	_ =	sdelay $0x1  }
0x9f: {  	s19 =	simm.s32 $_scs_section_size  }
0xa0: {  	s5 =	simm.s32 $_size__tile_overlayer_lowered;
	s6 =	simm.s32 $_tile_overlayer_lowered  }
0xa1: {  	s22 =	simm.s32 $0x1BFF;
	s21 =	sshll.u32 s6, $0x1;
	s3 =	sadd.s32 s19, s18  }
0xa2: {  	s7 =	simm.s32 $0x0;
	s20 =	sshll.u32 s5, $0x1;
	s5 =	sadd.s32 s21, s3  }
0xa3: {  	[timem:s7], [sflag:s22] =	dma.local [hbm:s5], s20  }
0xa4: {  	_ =	swait.ge [sflag:s22], s20  }
0xa5: {  	s4 =	ssub.s32 $0x0, s20;
	[sflag:s22] =	ssyncset.done $0x0  }
0xa6: {  	[sflag:s22] =	ssyncadd.s32 s4;
	_ =	sdelay $0x1  }
0xa7: {  	s23 =	simm.s32 $0x1B8B  }
0xa8: {  	_ =	swait.ge [sflag:s23], $0x1  }
0xa9: {  	[sflag:s23] =	ssyncset.done $0x0  }
0xaa: {  	s25 =	simm.s32 $0x1B8E;
	s24 =	sld [smem:$0x3FFE];
	[sflag:s23] =	ssyncadd.s32 $0xFFFFFFFF  }
0xab: {  	s26 =	simm.s32 $execute0_lowered;
	[smem:$0x3FD2] =	sst s25  }
0xac: {  	s5 =	sshll.u32 s26, $0x1;
	_ =	strace $0x80000046;
	[dreg:$0x1] =	wrdreg $0xFFFFFFFF  }
0xad: {  	s28 =	simm.s32 $_size_execute0_lowered;
	s3 =	sadd.s32 s3, s5;
	[dreg:$0x0] =	wrdreg $0x0  }
0xae: {  	s5 =	sshll.u32 s28, $0x1;
	[dreg:$0x2] =	wrdreg s3  }
0xaf: {  	[dreg:$0x3] =	wrdreg s5  }
0xb0: {  	[dreg:$0x4] =	wrdreg $0xC0  }
0xb1: {  	_ =	task [dreg:s7], $0x5FFFF  }
0xb2: {  	[dreg:$0x1] =	wrdreg $0xFFFFFFFF  }
0xb3: {  	[dreg:$0x0] =	wrdreg $0x60  }
0xb4: {  	[dreg:$0x2] =	wrdreg s24  }
0xb5: {  	[dreg:$0x3] =	wrdreg s16  }
0xb6: {  	[dreg:$0x4] =	wrdreg $0x9  }
0xb7: {  	_ =	task.clear_ibuf [dreg:s7], $0x5FFFF;
	_ =	strace $0x90000046  }
0xb8: {  	s29 =	simm.s32 $0x9;
	_ =	strace $0x80000048  }
0xb9: {  	_ =	swait.ge [sflag:s29], $0x1  }
0xba: {  	[sflag:s29] =	ssyncadd.s32 $0xFFFFFFFF  }
0xbb: {  	_ =	strace $0x90000048  }
0xbc: {  	_ =	sfence  }
0xbd: {  	s30 =	sld [smem:$0x0];
	_ =	sdelay $0x2  }
0xbe: {  	s31 =	sshll.u32 s1, $0xD;
	s1 =	sshrl.u32 s1, $0x2  }
0xbf: {  	s3 =	sand.u32 $0x4000, s31;
	s1 =	sadd.s32 s1, s30  }
0xc0: {  	s0 =	sor.u32 s3, s0;
	s1 =	sshll.u32 s1, $0x11  }
0xc1: {  	s0 =	sor.u32 s1, s0  }
0xc2: {  	s0 =	sadd.s32 $0x8F2B, s0  }
0xc3: {  	[sflag:s0] =	ssyncadd.remote.s32 $0x1  }
0xc4: {  	_ =	sfence.sel $0xFFFF  }
0xc5: {  	[dreg:$0x0] =	wrdreg $0xFFFFFFFF;
	(pc) =	sbr.abs _section_cstart, $3  }
0xc6: {  	[dreg:$0x1] =	wrdreg $0xFFFFFFFF  }
0xc7: {  	_ =	task.clear_ibuf [dreg:s7], $0x2FFFF;
	_ =	strace $0x9FFFFFFF  }
0xc8: {  	(tm) =	ssettm $0x7FFFFFFF  }
0xc9: {  	_ =	shalt  }
tec
execute0_lowered:
.L_overlay_start_1:
0x0: {  	(tag) =	ssettag $0x1  }
0x1: {  	s1 =	srdreg.scid;
	s0 =	stileid.u32  }
0x2: {  	s6 =	sand.u32 $0x1, s1;
	s30 =	sshll.u32 s0, $0x1  }
0x3: {  	s5 =	rddreg [dreg:$0x0];
	s8 =	sor.u32 s6, s30  }
0x4: {  	s9 =	rddreg [dreg:$0x1];
	s2 =	simm.s32 $0x0;
	s3 =	smul.u32 $0x14, s8  }
0x5: {  	[smem:$0x7FF] =	sst s2  }
0x6: {  	s1 =	rddreg [dreg:$0x2];
	_ =	strace $0x80000047;
	s3 =	sadd.s32 s3, s5  }
0x7: {  	s10 =	ssub.s32 $0x2, s6;
	s4 =	sadd.s32 $0x2600, s3;
	s3 =	simm.s32 $0x2  }
0x8: {  	[tilespmem:s2], [sflag:$0x2] =	stream.linear.gather [hbm4b:s4+s2], $0xA0, $0x38;
	[tilespmem:$0x28A0] =	vst v63  }
0x9: {  	s7 =	simm.s32 $0x1;
	s11 =	sshrl.u32 s10, $0x1;
	_ =	swait.ge [sflag:s3], $0xA0  }
0xa: {  	s6 =	simm.s32 $0xA0;
	s10 =	ssub.s32 s10, s11;
	[sflag:s3] =	ssyncset.done $0x0  }
0xb: {  	s5 =	sadd.s32 $0x189400, s5;
	s31 =	smax.u32 s10, $0x1;
	[sflag:s3] =	ssyncadd.s32 $0xFFFFFF60  }
0xc: {  	[tilespmem:s6], [sflag:$0x1] =	stream.indirect.gather [hbm4b:s5+s6], $0x40, s2, s6, $0xb8;
	[tilespmem:$0x28A0] =	vst v63  }
0xd: {  	s8 =	smul.u32 $0x500, s8;
	p0 =	sne.s32 s31, $0x1;
	_ =	swait.ge [sflag:s7], $0x2800  }
.Ltmp0:
0xe: {  	[sflag:s7] =	ssyncset.done $0x0;
	(pc) =	sbr.rel @!p0 .LBB2_2-.Ltmp0, $4  }
0xf: {  	s8 =	sadd.s32 s9, s8;
	[sflag:s7] =	ssyncadd.s32 $0xFFFFD800  }
0x10: {  	[hbm4b:s8+s2] =	stream.linear.scatter [tilespmem:s6], [sflag:$0x2], $0x2800, $0x38;
	[tilespmem:$0x28A0] =	vst v63  }
0x11: {  	_ =	swait.ge [sflag:s3], $0x2800  }
0x12: {  	s9 =	sadd.s32 $0xFFFFFFFF, s31;
	[sflag:s3] =	ssyncset.done $0x0  }
.LBB2_1:
0x13: {  	p0 =	sne.s32 s9, $0x1;
	s9 =	sadd.s32 $0xFFFFFFFF, s9;
	[sflag:s3] =	ssyncadd.s32 $0xFFFFD800  }
0x14: {  	[tilespmem:s2], [sflag:$0x2] =	stream.linear.gather [hbm4b:s4+s2], $0xA0, $0x38;
	[tilespmem:$0x28A0] =	vst v63  }
0x15: {  	_ =	swait.ge [sflag:s3], $0xA0  }
0x16: {  	[sflag:s3] =	ssyncset.done $0x0  }
0x17: {  	[sflag:s3] =	ssyncadd.s32 $0xFFFFFF60  }
0x18: {  	[tilespmem:s6], [sflag:$0x1] =	stream.indirect.gather [hbm4b:s5+s6], $0x40, s2, s6, $0xb8;
	[tilespmem:$0x28A0] =	vst v63  }
0x19: {  	_ =	swait.ge [sflag:s7], $0x2800  }
.Ltmp1:
0x1a: {  	[sflag:s7] =	ssyncset.done $0x0;
	(pc) =	sbr.rel @p0 .LBB2_1-.Ltmp1, $4  }
0x1b: {  	[sflag:s7] =	ssyncadd.s32 $0xFFFFD800  }
0x1c: {  	[hbm4b:s8+s2] =	stream.linear.scatter [tilespmem:s6], [sflag:$0x2], $0x2800, $0x38;
	[tilespmem:$0x28A0] =	vst v63  }
0x1d: {  	_ =	swait.ge [sflag:s3], $0x2800  }
0x1e: {  	[sflag:s3] =	ssyncset.done $0x0  }
.LBB2_2:
0x1f: {  	[sflag:s3] =	ssyncadd.s32 $0xFFFFD800  }
0x20: {  	_ =	sfence.sel $0x180000  }
0x21: {  	[bflag:$0x0] =	sbarrier.arrive $0xFFFF  }
0x22: {  	p0 =	sne.s32 s0, $0x0;
	_ =	strace $0x90000047  }
0x23: {  	s0 =	sadd.s32 @!p0 $0x100000, s1;
	[bflag:$0x2] =	sbarrier.arrive $0xFFFF  }
0x24: {  	[sflag:s0] =	ssyncadd.tile.s32 @!p0 $0x1;
	_ =	shalt  }
.Lfunc_end2:
_tile_overlayer_lowered:
.L_overlay_start_2:
0x25: {  	(tag) =	ssettag $0x2  }
0x26: {  	s0 =	rddreg [dreg:$0x0];
	s2 =	stileid.u32  }
0x27: {  	s1 =	rddreg [dreg:$0x1];
	p0 =	sne.s32 s2, $0x0  }
0x28: {  	s3 =	rddreg [dreg:$0x2];
	[bflag:$0x3] =	sbarrier.arrive $0xFFFF;
	s2 =	simm.s32 @!p0 $0x1C02  }
0x29: {  	[timem:s3], [sflag:s2] =	dma.local @!p0 [hbm:s0], s1  }
0x2a: {  	s0 =	simm.s32 @!p0 $0x2  }
0x2b: {  	_ =	swait.ge @!p0 [sflag:s0], s1  }
0x2c: {  	s1 =	ssub.s32 @!p0 $0x0, s1;
	[sflag:s0] =	ssyncset.done @!p0 $0x0  }
0x2d: {  	[sflag:s0] =	ssyncadd.s32 @!p0 s1  }
0x2e: {  	[bflag:$0x3] =	sbarrier.arrive $0xFFFF  }
0x2f: {  	_ =	shalt  }

</sc_bundles>
